<compile_context>
chip_gen: v7x
topology: tpu7x:2x2x1
jax: 0.10.2.dev20260603
libtpu: 0.0.44.dev20260713+nightly
codegen_flags: <defaults>
</compile_context>

<pallas_src>
import functools
import math

import jax
import jax.numpy as jnp
from jax import lax
from jax.experimental import pallas as pl
from jax.experimental.pallas import tpu as pltpu
from jax.experimental.pallas import tpu_sc as plsc

_NC = 2
_NS = 16
_SLAB = 32
_CHUNK = 16384


def _build_count_matrix(dst, src, zeros_slab, l):
    n_edges = dst.shape[0]
    n_workers = _NC * _NS
    rows_per_worker = l // n_workers
    slabs_per_worker = rows_per_worker // _SLAB
    n_chunks = n_edges // _CHUNK
    groups_per_chunk = _CHUNK // 16

    mesh = plsc.VectorSubcoreMesh(core_axis_name="c", subcore_axis_name="s")

    @functools.partial(
        pl.kernel,
        mesh=mesh,
        compiler_params=pltpu.CompilerParams(needs_layout_passes=False),
        out_type=jax.ShapeDtypeStruct((l * l,), jnp.float32),
        scratch_types=[
            pltpu.VMEM((_SLAB * l,), jnp.float32),
            pltpu.VMEM((_CHUNK,), jnp.int32),
            pltpu.VMEM((_CHUNK,), jnp.int32),
        ],
    )
    def build(dst_hbm, src_hbm, zeros_hbm, c_hbm, slab, dst_buf, src_buf):
        wid = lax.axis_index("s") * _NC + lax.axis_index("c")
        ones = jnp.full((16,), 1.0, jnp.float32)
        for si in range(slabs_per_worker):
            row_base = wid * rows_per_worker + si * _SLAB
            pltpu.sync_copy(zeros_hbm, slab)

            def chunk_body(ci, _, row_base=row_base):
                off = ci * _CHUNK
                pltpu.sync_copy(dst_hbm.at[pl.ds(off, _CHUNK)], dst_buf)
                pltpu.sync_copy(src_hbm.at[pl.ds(off, _CHUNK)], src_buf)

                def group_body(g, _):
                    d = dst_buf[pl.ds(g * 16, 16)]
                    s = src_buf[pl.ds(g * 16, 16)]
                    dl = d - row_base
                    mask = (dl >= 0) & (dl < _SLAB)
                    dl = jnp.where(mask, dl, 0)
                    plsc.addupdate_scatter(slab, [dl * l + s], ones, mask=mask)
                    return 0

                lax.fori_loop(0, groups_per_chunk, group_body, 0)
                return 0

            lax.fori_loop(0, n_chunks, chunk_body, 0)
            pltpu.sync_copy(slab, c_hbm.at[pl.ds(row_base * l, _SLAB * l)])

    return build(dst, src, zeros_slab).reshape(l, l)


def _dense_masked_attention(qt, kt, vt, c):
    n, h, l, e = qt.shape
    temp = 1.0 / math.sqrt(e)
    bq = 256
    n_bq = l // bq

    def body(q_ref, k_ref, v_ref, c_ref, o_ref):
        k = k_ref[0, 0]
        v = v_ref[0, 0]

        def chunk(i, _):
            qc = q_ref[0, 0, pl.ds(i * bq, bq), :]
            s = temp * lax.dot_general(
                qc, k, (((1,), (1,)), ((), ())),
                preferred_element_type=jnp.float32)
            cc = c_ref[pl.ds(i * bq, bq), :]
            sm = jnp.where(cc > 0.0, s, -1e30)
            m = jnp.max(sm, axis=1, keepdims=True)
            m = jnp.where(m < -1e29, 0.0, m)
            w = cc * jnp.exp(sm - m)
            denom = jnp.sum(w, axis=1, keepdims=True)
            o = lax.dot_general(
                w, v, (((1,), (0,)), ((), ())),
                preferred_element_type=jnp.float32)
            o_ref[0, 0, pl.ds(i * bq, bq), :] = o / (denom + 1e-16)
            return 0

        lax.fori_loop(0, n_bq, chunk, 0)

    return pl.pallas_call(
        body,
        grid=(n, h),
        in_specs=[
            pl.BlockSpec((1, 1, l, e), lambda i, j: (i, j, 0, 0)),
            pl.BlockSpec((1, 1, l, e), lambda i, j: (i, j, 0, 0)),
            pl.BlockSpec((1, 1, l, e), lambda i, j: (i, j, 0, 0)),
            pl.BlockSpec((l, l), lambda i, j: (0, 0)),
        ],
        out_specs=pl.BlockSpec((1, 1, l, e), lambda i, j: (i, j, 0, 0)),
        out_shape=jax.ShapeDtypeStruct((n, h, l, e), jnp.float32),
    )(qt, kt, vt, c)


def kernel(queries, keys, values, adj):
    n, l, h, e = queries.shape
    dst = adj[0]
    src = adj[1]
    zeros_slab = jnp.zeros((_SLAB * l,), jnp.float32)
    c = _build_count_matrix(dst, src, zeros_slab, l)
    qt = jnp.transpose(queries, (0, 2, 1, 3))
    kt = jnp.transpose(keys, (0, 2, 1, 3))
    vt = jnp.transpose(values, (0, 2, 1, 3))
    out = _dense_masked_attention(qt, kt, vt, c)
    return jnp.transpose(out, (0, 2, 1, 3))

# --- scband reference (transcript-rebuilt; emitter-appended) ---
"""Pipeline reference for scband-sparse-attention-11905649344759 (READ-ONLY COPY).

The authoritative reference and input builder live on the scoring server;
editing this copy changes nothing except your own understanding.
"""

import math
import jax, jax.numpy as jnp
import numpy as np


def setup_inputs(seed: int = 0) -> dict:
    key = jax.random.key(seed)
    k1, k2, k3, k4 = jax.random.split(key, 4)
    N, L, H, E = 2, 2048, 16, 64
    nE = 131072
    queries = jax.random.normal(k1, (N, L, H, E), dtype=jnp.float32)
    keys = jax.random.normal(k2, (N, L, H, E), dtype=jnp.float32)
    values = jax.random.normal(k3, (N, L, H, E), dtype=jnp.float32)
    adj = jax.random.randint(k4, (2, nE), 0, L, dtype=jnp.int32)
    return {"queries": queries, "keys": keys, "values": values, "adj": adj}


def reference(queries, keys, values, adj):
    # queries/keys: [N, L, H, E]; values: [N, L, H, D]; adj: [2, nE] edge list over seq dim
    n, l, h, e = queries.shape
    softmax_temp = 1.0 / math.sqrt(e)
    dst = adj[0]  # query indices (segments)
    src = adj[1]  # key/value indices
    # qk = sum(queries[:, dst] * keys[:, src], -1) -> [N, nE, H]
    q_sel = jnp.take(queries, dst, axis=1)
    k_sel = jnp.take(keys, src, axis=1)
    qk = jnp.sum(q_sel * k_sel, axis=-1)
    x = softmax_temp * qk  # [N, nE, H]
    # segment softmax over dst (per destination query position)
    x_t = jnp.moveaxis(x, 1, 0)  # [nE, N, H]
    seg_max = jax.ops.segment_max(x_t, dst, num_segments=l)  # [L, N, H]
    x_exp = jnp.exp(x_t - seg_max[dst])
    seg_sum = jax.ops.segment_sum(x_exp, dst, num_segments=l)
    alpha = x_exp / (seg_sum[dst] + 1e-16)  # [nE, N, H]  (dropout p=0.0 / eval mode)
    # spmm: out[i] = sum_{e: dst[e]==i} alpha[e] * values[:, src[e]]
    v_sel = jnp.moveaxis(jnp.take(values, src, axis=1), 1, 0)  # [nE, N, H, D]
    weighted = alpha[..., None] * v_sel  # [nE, N, H, D]
    out = jax.ops.segment_sum(weighted, dst, num_segments=l)  # [L, N, H, D]
    out = jnp.moveaxis(out, 0, 1)  # [N, L, H, D]
    return out

if __name__ == "__main__":
    import jax
    _d = setup_inputs()
    print(jax.jit(kernel)(*tuple(_d.values())))

</pallas_src>

<mosaic_0001>
#map = affine_map<(d0, d1) -> (0)>
module attributes {stable_mosaic.version = 14 : i64} {
  func.func @build(%arg0: i32, %arg1: i32, %arg2: memref<131072xi32, #tpu.memory_space<hbm>>, %arg3: memref<131072xi32, #tpu.memory_space<hbm>>, %arg4: memref<65536xf32, #tpu.memory_space<hbm>>, %arg5: memref<4194304xf32, #tpu.memory_space<hbm>>, %arg6: memref<65536xf32, #tpu.memory_space<vmem>>, %arg7: memref<16384xi32, #tpu.memory_space<vmem>>, %arg8: memref<16384xi32, #tpu.memory_space<vmem>>) attributes {dimension_semantics = [#tpu.dimension_semantics<core_parallel>, #tpu.dimension_semantics<subcore_parallel>], iteration_bounds = array<i64: 2, 16>, scalar_prefetch = 0 : i64, scratch_operands = 3 : i64, tpu.core_type = #tpu.core_type<sc_vector_subcore>, window_params = [{transform_indices = #map}, {transform_indices = #map}, {transform_indices = #map}, {transform_indices = #map}]} {
    %mul3A = arith.constant 2 : i32
    %mul3A_0 = arith.muli %arg1, %mul3A : i32
    %add3A = arith.addi %mul3A_0, %arg0 : i32
    %broadcast_in_dim3A = arith.constant 1.000000e+00 : f32
    %broadcast_in_dim3A_1 = vector.broadcast %broadcast_in_dim3A : f32 to vector<16xf32>
    %mul3A_2 = arith.constant 64 : i32
    %mul3A_3 = arith.muli %add3A, %mul3A_2 : i32
    %add3A_4 = arith.constant 0 : i32
    %add3A_5 = arith.addi %mul3A_3, %add3A_4 : i32
    "tpu.region"() ({
      %run_scoped3A = tpu.sem_alloc : memref<!tpu.dma_semaphore, #tpu.memory_space<semaphore_mem>>
      tpu.enqueue_dma source(%arg4 : memref<65536xf32, #tpu.memory_space<hbm>>) target(%arg6 : memref<65536xf32, #tpu.memory_space<vmem>>) target_semaphore(%run_scoped3A : memref<!tpu.dma_semaphore, #tpu.memory_space<semaphore_mem>>)
      tpu.wait_dma2 semaphore(%run_scoped3A : memref<!tpu.dma_semaphore, #tpu.memory_space<semaphore_mem>>) src(%arg4 : memref<65536xf32, #tpu.memory_space<hbm>>) dst(%arg6 : memref<65536xf32, #tpu.memory_space<vmem>>)
      tpu.yield
    }) : () -> ()
    %scan3A = arith.constant 0 : i32
    %scan3A_6 = arith.constant 0 : i32
    %scan3A_7 = arith.constant 8 : i32
    %scan3A_8 = arith.addi %scan3A_6, %scan3A_7 : i32
    %scan3A_9 = arith.constant 1 : i32
    %scan3A_10 = scf.for %scan3A_27 = %scan3A_6 to %scan3A_8 step %scan3A_9 iter_args(%scan3A_28 = %scan3A) -> (i32)  : i32 {
      %mul3A_29 = arith.constant 16384 : i32
      %mul3A_30 = arith.muli %scan3A_27, %mul3A_29 : i32
      "tpu.region"() ({
        %run_scoped3A = tpu.sem_alloc : memref<!tpu.dma_semaphore, #tpu.memory_space<semaphore_mem>>
        %dma_start3A = tpu.memref_slice %arg2[%mul3A_30] : memref<131072xi32, #tpu.memory_space<hbm>> -> memref<16384xi32, #tpu.memory_space<hbm>>
        %dma_start3A_39 = tpu.memref_slice %arg2[%mul3A_30] : memref<131072xi32, #tpu.memory_space<hbm>> -> memref<16384xi32, #tpu.memory_space<hbm>>
        tpu.enqueue_dma source(%dma_start3A_39 : memref<16384xi32, #tpu.memory_space<hbm>>) target(%arg7 : memref<16384xi32, #tpu.memory_space<vmem>>) target_semaphore(%run_scoped3A : memref<!tpu.dma_semaphore, #tpu.memory_space<semaphore_mem>>)
        %dma_wait3A = tpu.memref_slice %arg2[%mul3A_30] : memref<131072xi32, #tpu.memory_space<hbm>> -> memref<16384xi32, #tpu.memory_space<hbm>>
        %dma_wait3A_40 = tpu.memref_slice %arg2[%mul3A_30] : memref<131072xi32, #tpu.memory_space<hbm>> -> memref<16384xi32, #tpu.memory_space<hbm>>
        tpu.wait_dma2 semaphore(%run_scoped3A : memref<!tpu.dma_semaphore, #tpu.memory_space<semaphore_mem>>) src(%dma_wait3A_40 : memref<16384xi32, #tpu.memory_space<hbm>>) dst(%arg7 : memref<16384xi32, #tpu.memory_space<vmem>>)
        tpu.yield
      }) : () -> ()
      "tpu.region"() ({
        %run_scoped3A = tpu.sem_alloc : memref<!tpu.dma_semaphore, #tpu.memory_space<semaphore_mem>>
        %dma_start3A = tpu.memref_slice %arg3[%mul3A_30] : memref<131072xi32, #tpu.memory_space<hbm>> -> memref<16384xi32, #tpu.memory_space<hbm>>
        %dma_start3A_39 = tpu.memref_slice %arg3[%mul3A_30] : memref<131072xi32, #tpu.memory_space<hbm>> -> memref<16384xi32, #tpu.memory_space<hbm>>
        tpu.enqueue_dma source(%dma_start3A_39 : memref<16384xi32, #tpu.memory_space<hbm>>) target(%arg8 : memref<16384xi32, #tpu.memory_space<vmem>>) target_semaphore(%run_scoped3A : memref<!tpu.dma_semaphore, #tpu.memory_space<semaphore_mem>>)
        %dma_wait3A = tpu.memref_slice %arg3[%mul3A_30] : memref<131072xi32, #tpu.memory_space<hbm>> -> memref<16384xi32, #tpu.memory_space<hbm>>
        %dma_wait3A_40 = tpu.memref_slice %arg3[%mul3A_30] : memref<131072xi32, #tpu.memory_space<hbm>> -> memref<16384xi32, #tpu.memory_space<hbm>>
        tpu.wait_dma2 semaphore(%run_scoped3A : memref<!tpu.dma_semaphore, #tpu.memory_space<semaphore_mem>>) src(%dma_wait3A_40 : memref<16384xi32, #tpu.memory_space<hbm>>) dst(%arg8 : memref<16384xi32, #tpu.memory_space<vmem>>)
        tpu.yield
      }) : () -> ()
      %scan3A_31 = arith.constant 0 : i32
      %scan3A_32 = arith.constant 0 : i32
      %scan3A_33 = arith.constant 1024 : i32
      %scan3A_34 = arith.addi %scan3A_32, %scan3A_33 : i32
      %scan3A_35 = arith.constant 1 : i32
      %scan3A_36 = scf.for %scan3A_39 = %scan3A_32 to %scan3A_34 step %scan3A_35 iter_args(%scan3A_40 = %scan3A_31) -> (i32)  : i32 {
        %mul3A_41 = arith.constant 16 : i32
        %mul3A_42 = arith.muli %scan3A_39, %mul3A_41 : i32
        %get3A = arith.index_cast %mul3A_42 : i32 to index
        %get3A_43 = tpu.vector_load %arg7[%get3A] {strides = array<i32>} : memref<16384xi32, #tpu.memory_space<vmem>>, vector<16xi32>,
        %mul3A_44 = arith.constant 16 : i32
        %mul3A_45 = arith.muli %scan3A_39, %mul3A_44 : i32
        %get3A_46 = arith.index_cast %mul3A_45 : i32 to index
        %get3A_47 = tpu.vector_load %arg8[%get3A_46] {strides = array<i32>} : memref<16384xi32, #tpu.memory_space<vmem>>, vector<16xi32>,
        %sub3A = vector.broadcast %add3A_5 : i32 to vector<16xi32>
        %sub3A_48 = arith.subi %get3A_43, %sub3A : vector<16xi32>
        %ge3A = arith.constant 0 : i32
        %ge3A_49 = vector.broadcast %ge3A : i32 to vector<16xi32>
        %ge3A_50 = arith.cmpi sge, %sub3A_48, %ge3A_49 : vector<16xi32>
        %lt3A = arith.constant 32 : i32
        %lt3A_51 = vector.broadcast %lt3A : i32 to vector<16xi32>
        %lt3A_52 = arith.cmpi slt, %sub3A_48, %lt3A_51 : vector<16xi32>
        %and3A = arith.andi %ge3A_50, %lt3A_52 : vector<16xi1>
        %jit3A = arith.constant 0 : i32
        %broadcast_in_dim3A_53 = vector.broadcast %jit3A : i32 to vector<16xi32>
        %select_n3A = arith.select %and3A, %sub3A_48, %broadcast_in_dim3A_53 : vector<16xi1>, vector<16xi32>
        %mul3A_54 = arith.constant 2048 : i32
        %mul3A_55 = vector.broadcast %mul3A_54 : i32 to vector<16xi32>
        %mul3A_56 = arith.muli %select_n3A, %mul3A_55 : vector<16xi32>
        %add3A_57 = arith.addi %mul3A_56, %get3A_47 : vector<16xi32>
        tpu.vector_store_idx %arg6[%add3A_57], %broadcast_in_dim3A_1 masked %and3A {add = true} : memref<65536xf32, #tpu.memory_space<vmem>>[vector<16xi32>], vector<16xf32>, vector<16xi1>
        %scan3A_58 = arith.constant 0 : i32
        scf.yield %scan3A_58 : i32
      }
      %scan3A_37 = arith.constant 1024 : i32
      %scan3A_38 = arith.constant 0 : i32
      scf.yield %scan3A_38 : i32
    }
    %scan3A_11 = arith.constant 8 : i32
    %mul3A_12 = arith.constant 2048 : i32
    %mul3A_13 = arith.muli %add3A_5, %mul3A_12 : i32
    "tpu.region"() ({
      %run_scoped3A = tpu.sem_alloc : memref<!tpu.dma_semaphore, #tpu.memory_space<semaphore_mem>>
      %dma_start3A = tpu.memref_slice %arg5[%mul3A_13] : memref<4194304xf32, #tpu.memory_space<hbm>> -> memref<65536xf32, #tpu.memory_space<hbm>>
      %dma_start3A_27 = tpu.memref_slice %arg5[%mul3A_13] : memref<4194304xf32, #tpu.memory_space<hbm>> -> memref<65536xf32, #tpu.memory_space<hbm>>
      tpu.enqueue_dma source(%arg6 : memref<65536xf32, #tpu.memory_space<vmem>>) target(%dma_start3A_27 : memref<65536xf32, #tpu.memory_space<hbm>>) target_semaphore(%run_scoped3A : memref<!tpu.dma_semaphore, #tpu.memory_space<semaphore_mem>>)
      %dma_wait3A = tpu.memref_slice %arg5[%mul3A_13] : memref<4194304xf32, #tpu.memory_space<hbm>> -> memref<65536xf32, #tpu.memory_space<hbm>>
      %dma_wait3A_28 = tpu.memref_slice %arg5[%mul3A_13] : memref<4194304xf32, #tpu.memory_space<hbm>> -> memref<65536xf32, #tpu.memory_space<hbm>>
      tpu.wait_dma2 semaphore(%run_scoped3A : memref<!tpu.dma_semaphore, #tpu.memory_space<semaphore_mem>>) src(%arg6 : memref<65536xf32, #tpu.memory_space<vmem>>) dst(%dma_wait3A_28 : memref<65536xf32, #tpu.memory_space<hbm>>)
      tpu.yield
    }) : () -> ()
    %mul3A_14 = arith.constant 64 : i32
    %mul3A_15 = arith.muli %add3A, %mul3A_14 : i32
    %add3A_16 = arith.constant 32 : i32
    %add3A_17 = arith.addi %mul3A_15, %add3A_16 : i32
    "tpu.region"() ({
      %run_scoped3A = tpu.sem_alloc : memref<!tpu.dma_semaphore, #tpu.memory_space<semaphore_mem>>
      tpu.enqueue_dma source(%arg4 : memref<65536xf32, #tpu.memory_space<hbm>>) target(%arg6 : memref<65536xf32, #tpu.memory_space<vmem>>) target_semaphore(%run_scoped3A : memref<!tpu.dma_semaphore, #tpu.memory_space<semaphore_mem>>)
      tpu.wait_dma2 semaphore(%run_scoped3A : memref<!tpu.dma_semaphore, #tpu.memory_space<semaphore_mem>>) src(%arg4 : memref<65536xf32, #tpu.memory_space<hbm>>) dst(%arg6 : memref<65536xf32, #tpu.memory_space<vmem>>)
      tpu.yield
    }) : () -> ()
    %scan3A_18 = arith.constant 0 : i32
    %scan3A_19 = arith.constant 0 : i32
    %scan3A_20 = arith.constant 8 : i32
    %scan3A_21 = arith.addi %scan3A_19, %scan3A_20 : i32
    %scan3A_22 = arith.constant 1 : i32
    %scan3A_23 = scf.for %scan3A_27 = %scan3A_19 to %scan3A_21 step %scan3A_22 iter_args(%scan3A_28 = %scan3A_18) -> (i32)  : i32 {
      %mul3A_29 = arith.constant 16384 : i32
      %mul3A_30 = arith.muli %scan3A_27, %mul3A_29 : i32
      "tpu.region"() ({
        %run_scoped3A = tpu.sem_alloc : memref<!tpu.dma_semaphore, #tpu.memory_space<semaphore_mem>>
        %dma_start3A = tpu.memref_slice %arg2[%mul3A_30] : memref<131072xi32, #tpu.memory_space<hbm>> -> memref<16384xi32, #tpu.memory_space<hbm>>
        %dma_start3A_39 = tpu.memref_slice %arg2[%mul3A_30] : memref<131072xi32, #tpu.memory_space<hbm>> -> memref<16384xi32, #tpu.memory_space<hbm>>
        tpu.enqueue_dma source(%dma_start3A_39 : memref<16384xi32, #tpu.memory_space<hbm>>) target(%arg7 : memref<16384xi32, #tpu.memory_space<vmem>>) target_semaphore(%run_scoped3A : memref<!tpu.dma_semaphore, #tpu.memory_space<semaphore_mem>>)
        %dma_wait3A = tpu.memref_slice %arg2[%mul3A_30] : memref<131072xi32, #tpu.memory_space<hbm>> -> memref<16384xi32, #tpu.memory_space<hbm>>
        %dma_wait3A_40 = tpu.memref_slice %arg2[%mul3A_30] : memref<131072xi32, #tpu.memory_space<hbm>> -> memref<16384xi32, #tpu.memory_space<hbm>>
        tpu.wait_dma2 semaphore(%run_scoped3A : memref<!tpu.dma_semaphore, #tpu.memory_space<semaphore_mem>>) src(%dma_wait3A_40 : memref<16384xi32, #tpu.memory_space<hbm>>) dst(%arg7 : memref<16384xi32, #tpu.memory_space<vmem>>)
        tpu.yield
      }) : () -> ()
      "tpu.region"() ({
        %run_scoped3A = tpu.sem_alloc : memref<!tpu.dma_semaphore, #tpu.memory_space<semaphore_mem>>
        %dma_start3A = tpu.memref_slice %arg3[%mul3A_30] : memref<131072xi32, #tpu.memory_space<hbm>> -> memref<16384xi32, #tpu.memory_space<hbm>>
        %dma_start3A_39 = tpu.memref_slice %arg3[%mul3A_30] : memref<131072xi32, #tpu.memory_space<hbm>> -> memref<16384xi32, #tpu.memory_space<hbm>>
        tpu.enqueue_dma source(%dma_start3A_39 : memref<16384xi32, #tpu.memory_space<hbm>>) target(%arg8 : memref<16384xi32, #tpu.memory_space<vmem>>) target_semaphore(%run_scoped3A : memref<!tpu.dma_semaphore, #tpu.memory_space<semaphore_mem>>)
        %dma_wait3A = tpu.memref_slice %arg3[%mul3A_30] : memref<131072xi32, #tpu.memory_space<hbm>> -> memref<16384xi32, #tpu.memory_space<hbm>>
        %dma_wait3A_40 = tpu.memref_slice %arg3[%mul3A_30] : memref<131072xi32, #tpu.memory_space<hbm>> -> memref<16384xi32, #tpu.memory_space<hbm>>
        tpu.wait_dma2 semaphore(%run_scoped3A : memref<!tpu.dma_semaphore, #tpu.memory_space<semaphore_mem>>) src(%dma_wait3A_40 : memref<16384xi32, #tpu.memory_space<hbm>>) dst(%arg8 : memref<16384xi32, #tpu.memory_space<vmem>>)
        tpu.yield
      }) : () -> ()
      %scan3A_31 = arith.constant 0 : i32
      %scan3A_32 = arith.constant 0 : i32
      %scan3A_33 = arith.constant 1024 : i32
      %scan3A_34 = arith.addi %scan3A_32, %scan3A_33 : i32
      %scan3A_35 = arith.constant 1 : i32
      %scan3A_36 = scf.for %scan3A_39 = %scan3A_32 to %scan3A_34 step %scan3A_35 iter_args(%scan3A_40 = %scan3A_31) -> (i32)  : i32 {
        %mul3A_41 = arith.constant 16 : i32
        %mul3A_42 = arith.muli %scan3A_39, %mul3A_41 : i32
        %get3A = arith.index_cast %mul3A_42 : i32 to index
        %get3A_43 = tpu.vector_load %arg7[%get3A] {strides = array<i32>} : memref<16384xi32, #tpu.memory_space<vmem>>, vector<16xi32>,
        %mul3A_44 = arith.constant 16 : i32
        %mul3A_45 = arith.muli %scan3A_39, %mul3A_44 : i32
        %get3A_46 = arith.index_cast %mul3A_45 : i32 to index
        %get3A_47 = tpu.vector_load %arg8[%get3A_46] {strides = array<i32>} : memref<16384xi32, #tpu.memory_space<vmem>>, vector<16xi32>,
        %sub3A = vector.broadcast %add3A_17 : i32 to vector<16xi32>
        %sub3A_48 = arith.subi %get3A_43, %sub3A : vector<16xi32>
        %ge3A = arith.constant 0 : i32
        %ge3A_49 = vector.broadcast %ge3A : i32 to vector<16xi32>
        %ge3A_50 = arith.cmpi sge, %sub3A_48, %ge3A_49 : vector<16xi32>
        %lt3A = arith.constant 32 : i32
        %lt3A_51 = vector.broadcast %lt3A : i32 to vector<16xi32>
        %lt3A_52 = arith.cmpi slt, %sub3A_48, %lt3A_51 : vector<16xi32>
        %and3A = arith.andi %ge3A_50, %lt3A_52 : vector<16xi1>
        %jit3A = arith.constant 0 : i32
        %broadcast_in_dim3A_53 = vector.broadcast %jit3A : i32 to vector<16xi32>
        %select_n3A = arith.select %and3A, %sub3A_48, %broadcast_in_dim3A_53 : vector<16xi1>, vector<16xi32>
        %mul3A_54 = arith.constant 2048 : i32
        %mul3A_55 = vector.broadcast %mul3A_54 : i32 to vector<16xi32>
        %mul3A_56 = arith.muli %select_n3A, %mul3A_55 : vector<16xi32>
        %add3A_57 = arith.addi %mul3A_56, %get3A_47 : vector<16xi32>
        tpu.vector_store_idx %arg6[%add3A_57], %broadcast_in_dim3A_1 masked %and3A {add = true} : memref<65536xf32, #tpu.memory_space<vmem>>[vector<16xi32>], vector<16xf32>, vector<16xi1>
        %scan3A_58 = arith.constant 0 : i32
        scf.yield %scan3A_58 : i32
      }
      %scan3A_37 = arith.constant 1024 : i32
      %scan3A_38 = arith.constant 0 : i32
      scf.yield %scan3A_38 : i32
    }
    %scan3A_24 = arith.constant 8 : i32
    %mul3A_25 = arith.constant 2048 : i32
    %mul3A_26 = arith.muli %add3A_17, %mul3A_25 : i32
    "tpu.region"() ({
      %run_scoped3A = tpu.sem_alloc : memref<!tpu.dma_semaphore, #tpu.memory_space<semaphore_mem>>
      %dma_start3A = tpu.memref_slice %arg5[%mul3A_26] : memref<4194304xf32, #tpu.memory_space<hbm>> -> memref<65536xf32, #tpu.memory_space<hbm>>
      %dma_start3A_27 = tpu.memref_slice %arg5[%mul3A_26] : memref<4194304xf32, #tpu.memory_space<hbm>> -> memref<65536xf32, #tpu.memory_space<hbm>>
      tpu.enqueue_dma source(%arg6 : memref<65536xf32, #tpu.memory_space<vmem>>) target(%dma_start3A_27 : memref<65536xf32, #tpu.memory_space<hbm>>) target_semaphore(%run_scoped3A : memref<!tpu.dma_semaphore, #tpu.memory_space<semaphore_mem>>)
      %dma_wait3A = tpu.memref_slice %arg5[%mul3A_26] : memref<4194304xf32, #tpu.memory_space<hbm>> -> memref<65536xf32, #tpu.memory_space<hbm>>
      %dma_wait3A_28 = tpu.memref_slice %arg5[%mul3A_26] : memref<4194304xf32, #tpu.memory_space<hbm>> -> memref<65536xf32, #tpu.memory_space<hbm>>
      tpu.wait_dma2 semaphore(%run_scoped3A : memref<!tpu.dma_semaphore, #tpu.memory_space<semaphore_mem>>) src(%arg6 : memref<65536xf32, #tpu.memory_space<vmem>>) dst(%dma_wait3A_28 : memref<65536xf32, #tpu.memory_space<hbm>>)
      tpu.yield
    }) : () -> ()
    return
  }
}

module attributes {stable_mosaic.version = 14 : i64} {
  func.func @body(%arg0: i32, %arg1: i32, %arg2: memref<1x1x2048x64xf32, #tpu.memory_space<vmem>>, %arg3: memref<1x1x2048x64xf32, #tpu.memory_space<vmem>>, %arg4: memref<1x1x2048x64xf32, #tpu.memory_space<vmem>>, %arg5: memref<2048x2048xf32, #tpu.memory_space<vmem>>, %arg6: memref<1x1x2048x64xf32, #tpu.memory_space<vmem>>) attributes {dimension_semantics = [#tpu.dimension_semantics<arbitrary>, #tpu.dimension_semantics<arbitrary>], iteration_bounds = array<i64: 2, 16>, scalar_prefetch = 0 : i64, scratch_operands = 0 : i64, tpu.core_type = #tpu.core_type<tc>, window_params = [{transform_indices = @transform_0, window_bounds = array<i64: 1, 1, 2048, 64>}, {transform_indices = @transform_1, window_bounds = array<i64: 1, 1, 2048, 64>}, {transform_indices = @transform_2, window_bounds = array<i64: 1, 1, 2048, 64>}, {pipeline_mode = #tpu.pipeline_mode<synchronous>, transform_indices = @transform_3, window_bounds = array<i64: 2048, 2048>}, {transform_indices = @transform_4, window_bounds = array<i64: 1, 1, 2048, 64>}]} {
    %get3A = arith.constant 0 : index
    %get3A_0 = arith.constant 0 : index
    %get3A_1 = arith.constant 0 : index
    %get3A_2 = arith.constant 0 : index
    %get3A_3 = vector.load %arg3[%get3A, %get3A_0, %get3A_1, %get3A_2] : memref<1x1x2048x64xf32, #tpu.memory_space<vmem>>, vector<1x1x2048x64xf32>
    %get3A_4 = vector.shape_cast %get3A_3 : vector<1x1x2048x64xf32> to vector<2048x64xf32>
    %get3A_5 = arith.constant 0 : index
    %get3A_6 = arith.constant 0 : index
    %get3A_7 = arith.constant 0 : index
    %get3A_8 = arith.constant 0 : index
    %get3A_9 = vector.load %arg4[%get3A_5, %get3A_6, %get3A_7, %get3A_8] : memref<1x1x2048x64xf32, #tpu.memory_space<vmem>>, vector<1x1x2048x64xf32>
    %get3A_10 = vector.shape_cast %get3A_9 : vector<1x1x2048x64xf32> to vector<2048x64xf32>
    %scan3A = arith.constant 0 : i32
    %scan3A_11 = arith.constant 8 : i32
    %scan3A_12 = arith.addi %scan3A, %scan3A_11 : i32
    %scan3A_13 = arith.constant 1 : i32
    scf.for %scan3A_15 = %scan3A to %scan3A_12 step %scan3A_13  : i32 {
      %mul3A = arith.constant 256 : i32
      %mul3A_16 = arith.muli %scan3A_15, %mul3A : i32
      %get3A_17 = arith.constant 0 : index
      %get3A_18 = arith.constant 0 : index
      %get3A_19 = arith.index_cast %mul3A_16 : i32 to index
      %get3A_20 = arith.constant 0 : index
      %get3A_21 = vector.load %arg2[%get3A_17, %get3A_18, %get3A_19, %get3A_20] : memref<1x1x2048x64xf32, #tpu.memory_space<vmem>>, vector<1x1x256x64xf32>
      %get3A_22 = vector.shape_cast %get3A_21 : vector<1x1x256x64xf32> to vector<256x64xf32>
      %dot_general3A = arith.constant dense<0.000000e+00> : vector<256x2048xf32>
      %dot_general3A_23 = tpu.matmul %get3A_22, %get3A_4, %dot_general3A {dimension_numbers = #tpu.dot_dimension_numbers<[1], [1], [0], [0], [0, 0, 1, 0], [], []>, transpose_lhs_hint = false} : vector<256x64xf32>, vector<2048x64xf32>, vector<256x2048xf32> -> vector<256x2048xf32>
      %mul3A_24 = arith.constant 1.250000e-01 : f32
      %mul3A_25 = vector.broadcast %mul3A_24 : f32 to vector<256x2048xf32>
      %mul3A_26 = arith.mulf %mul3A_25, %dot_general3A_23 : vector<256x2048xf32>
      %mul3A_27 = arith.constant 256 : i32
      %mul3A_28 = arith.muli %scan3A_15, %mul3A_27 : i32
      %get3A_29 = arith.index_cast %mul3A_28 : i32 to index
      %get3A_30 = arith.constant 0 : index
      %get3A_31 = vector.load %arg5[%get3A_29, %get3A_30] : memref<2048x2048xf32, #tpu.memory_space<vmem>>, vector<256x2048xf32>
      %gt3A = arith.constant 0.000000e+00 : f32
      %gt3A_32 = vector.broadcast %gt3A : f32 to vector<256x2048xf32>
      %gt3A_33 = arith.cmpf ogt, %get3A_31, %gt3A_32 : vector<256x2048xf32>
      %jit3A = arith.constant -1.000000e+30 : f32
      %broadcast_in_dim3A = vector.broadcast %jit3A : f32 to vector<256x2048xf32>
      %select_n3A = arith.select %gt3A_33, %mul3A_26, %broadcast_in_dim3A : vector<256x2048xi1>, vector<256x2048xf32>
      %reduce_max3A = arith.constant dense<0xFF800000> : vector<256xf32>
      %reduce_max3A_34 = vector.multi_reduction <maximumf>, %select_n3A, %reduce_max3A [1] : vector<256x2048xf32> to vector<256xf32>
      %broadcast_in_dim3A_35 = vector.shape_cast %reduce_max3A_34 : vector<256xf32> to vector<256x1xf32>
      %lt3A = arith.constant -1.000000e+29 : f32
      %lt3A_36 = vector.broadcast %lt3A : f32 to vector<256x1xf32>
      %lt3A_37 = arith.cmpf olt, %broadcast_in_dim3A_35, %lt3A_36 : vector<256x1xf32>
      %jit3A_38 = arith.constant 0.000000e+00 : f32
      %broadcast_in_dim3A_39 = vector.broadcast %jit3A_38 : f32 to vector<256x1xf32>
      %select_n3A_40 = arith.select %lt3A_37, %broadcast_in_dim3A_39, %broadcast_in_dim3A_35 : vector<256x1xi1>, vector<256x1xf32>
      %sub3A = vector.broadcast %select_n3A_40 : vector<256x1xf32> to vector<256x2048xf32>
      %sub3A_41 = arith.subf %select_n3A, %sub3A : vector<256x2048xf32>
      %exp3A = math.exp %sub3A_41 : vector<256x2048xf32>
      %mul3A_42 = arith.mulf %get3A_31, %exp3A : vector<256x2048xf32>
      %reduce_sum3A = arith.constant dense<0.000000e+00> : vector<256xf32>
      %reduce_sum3A_43 = vector.multi_reduction <add>, %mul3A_42, %reduce_sum3A [1] : vector<256x2048xf32> to vector<256xf32>
      %broadcast_in_dim3A_44 = vector.shape_cast %reduce_sum3A_43 : vector<256xf32> to vector<256x1xf32>
      %dot_general3A_45 = arith.constant dense<0.000000e+00> : vector<256x64xf32>
      %dot_general3A_46 = tpu.matmul %mul3A_42, %get3A_10, %dot_general3A_45 {dimension_numbers = #tpu.dot_dimension_numbers<[1], [0], [0], [1], [0, 0, 1, 1], [], []>, transpose_lhs_hint = false} : vector<256x2048xf32>, vector<2048x64xf32>, vector<256x64xf32> -> vector<256x64xf32>
      %add3A = arith.constant 1.000000e-16 : f32
      %add3A_47 = vector.broadcast %add3A : f32 to vector<256x1xf32>
      %add3A_48 = arith.addf %broadcast_in_dim3A_44, %add3A_47 : vector<256x1xf32>
      %div3A = vector.broadcast %add3A_48 : vector<256x1xf32> to vector<256x64xf32>
      %div3A_49 = arith.divf %dot_general3A_46, %div3A : vector<256x64xf32>
      %mul3A_50 = arith.constant 256 : i32
      %mul3A_51 = arith.muli %scan3A_15, %mul3A_50 : i32
      %swap3A = arith.constant 0 : index
      %swap3A_52 = arith.constant 0 : index
      %swap3A_53 = arith.index_cast %mul3A_51 : i32 to index
      %swap3A_54 = arith.constant 0 : index
      %swap3A_55 = vector.load %arg6[%swap3A, %swap3A_52, %swap3A_53, %swap3A_54] : memref<1x1x2048x64xf32, #tpu.memory_space<vmem>>, vector<1x1x256x64xf32>
      %swap3A_56 = vector.shape_cast %swap3A_55 : vector<1x1x256x64xf32> to vector<256x64xf32>
      %swap3A_57 = vector.shape_cast %div3A_49 : vector<256x64xf32> to vector<1x1x256x64xf32>
      tpu.vector_store %arg6[%swap3A, %swap3A_52, %swap3A_53, %swap3A_54], %swap3A_57 {strides = array<i32>} : memref<1x1x2048x64xf32, #tpu.memory_space<vmem>>, vector<1x1x256x64xf32>,
    }
    %scan3A_14 = arith.constant 8 : i32
    return
  }
  func.func @transform_0(%arg0: i32, %arg1: i32) -> (i32, i32, i32, i32) {
    %c0_i32 = arith.constant 0 : i32
    %c0_i32_0 = arith.constant 0 : i32
    %c0_i32_1 = arith.constant 0 : i32
    return %arg0, %arg1, %c0_i32, %c0_i32_0 : i32, i32, i32, i32
  }
  func.func @transform_1(%arg0: i32, %arg1: i32) -> (i32, i32, i32, i32) {
    %c0_i32 = arith.constant 0 : i32
    %c0_i32_0 = arith.constant 0 : i32
    %c0_i32_1 = arith.constant 0 : i32
    return %arg0, %arg1, %c0_i32, %c0_i32_0 : i32, i32, i32, i32
  }
  func.func @transform_2(%arg0: i32, %arg1: i32) -> (i32, i32, i32, i32) {
    %c0_i32 = arith.constant 0 : i32
    %c0_i32_0 = arith.constant 0 : i32
    %c0_i32_1 = arith.constant 0 : i32
    return %arg0, %arg1, %c0_i32, %c0_i32_0 : i32, i32, i32, i32
  }
  func.func @transform_3(%arg0: i32, %arg1: i32) -> (i32, i32) {
    %c0_i32 = arith.constant 0 : i32
    %c0_i32_0 = arith.constant 0 : i32
    %c0_i32_1 = arith.constant 0 : i32
    return %c0_i32, %c0_i32_0 : i32, i32
  }
  func.func @transform_4(%arg0: i32, %arg1: i32) -> (i32, i32, i32, i32) {
    %c0_i32 = arith.constant 0 : i32
    %c0_i32_0 = arith.constant 0 : i32
    %c0_i32_1 = arith.constant 0 : i32
    return %arg0, %arg1, %c0_i32, %c0_i32_0 : i32, i32, i32, i32
  }
}

</mosaic_0001>

<sc_bundles>
// kernel: kernel.4.cloned.1.call-start
scs
__scs_entry_jumppad:
0x0: {  	(pc) =	sbr.rel $0x88, $3  }
0x1: {  	(tag) =	ssettag $0x0;
	lr =	simm.s32 $0x1  }
0x2: {  	[smem:$0x3F9D] =	sst lr;
	_ =	strace $0xD0000000  }
0x3: {  	_ = 	snop  }
0x4: {  	_ = 	snop  }
0x5: {  	_ = 	snop  }
0x6: {  	_ = 	snop  }
0x7: {  	_ = 	snop  }
__scs_overlays_trampoline_lowered:
0x8: {  	[smem:$0x3FAC] =	sst s0  }
0x9: {  	[smem:$0x3FAD] =	sst s1  }
0xa: {  	[smem:$0x3FAE] =	sst s2  }
0xb: {  	[smem:$0x3FAF] =	sst s3  }
0xc: {  	[smem:$0x3FB0] =	sst s4  }
0xd: {  	[smem:$0x3FB1] =	sst s5  }
0xe: {  	[smem:$0x3FB2] =	sst s6  }
0xf: {  	[smem:$0x3FB3] =	sst s7  }
0x10: {  	[smem:$0x3FB4] =	sst s8  }
0x11: {  	[smem:$0x3FB5] =	sst s9;
	s0 =	simm.s32 @!p0 $0x0  }
0x12: {  	s1 =	sld [smem:$0x3F9B];
	s0 =	simm.s32 @p0 $0x1  }
0x13: {  	[smem:$0x3FB6] =	sst s0;
	s0 =	simm.s32 @!p1 $0x0  }
0x14: {  	s2 =	sld [smem:$0x3F9A];
	s0 =	simm.s32 @p1 $0x1  }
0x15: {  	[smem:$0x3FB7] =	sst s0;
	s0 =	simm.s32 @!p2 $0x0  }
0x16: {  	s3 =	sld [smem:$0x3FDB];
	s0 =	simm.s32 @p2 $0x1  }
0x17: {  	s4 =	simm.s32 $0x1BF5;
	[smem:$0x3FB9] =	sst s0  }
0x18: {  	s0 =	sld [smem:$0x3F9C];
	_ =	swait.ge [sflag:s4], $0x0  }
0x19: {  	s7 =	sld [smem:$0x3F9D]  }
0x1a: {  	s8 =	sadd.s32 $0xFFFFE003, lr  }
0x1b: {  	s9 =	sadd.s32 $0xFFFFFEF7, lr;
	s5 =	simm.s32 $0xFFFFFFFF;
	p2 =	slt.u32 s8, $0xFFFFF086  }
0x1c: {  	p1 =	slt.u32 s9, $0xF7A;
	s5 =	simm.s32 @!p2 $0x0  }
0x1d: {  	s5 =	simm.s32 @p1 $0x1;
	p0 =	seq.s32 s7, s2  }
0x1e: {  	s7 =	smul.u32 @!p0 $0xF7A, s2;
	p2 =	seq.s32 @!p0 s5, $0x0  }
0x1f: {  	s9 =	smul.u32 $0xF7A, s1;
	s8 =	simm.s32 @!p0 $0x1BF5;
	p2 =	por !p2, p0  }
0x20: {  	[sflag:s8] =	ssyncset.s32 @!p0 $0xFFFFF086;
	s6 =	sadd.s32 @!p0 s3, s7;
	s7 =	simm.s32 @!p0 $0x108  }
0x21: {  	s3 =	sadd.s32 s3, s9;
	s6 =	sadd.s32 @!p0 $0x88, s6;
	s7 =	simm.s32 @p2 $0x1082  }
0x22: {  	[simem:s7], [sflag:s8] =	dma.local @!p0 [hbm:s6], $0xF7A  }
0x23: {  	s9 =	sor.u32 $0xD0000000, s2;
	s6 =	simm.s32 $0x108;
	_ =	swait.ge @!p0 [sflag:s8], $0x0  }
0x24: {  	s3 =	sadd.s32 $0x88, s3;
	s6 =	simm.s32 @!p1 $0x1082;
	[sflag:s4] =	ssyncset.s32 $0xFFFFF086  }
0x25: {  	[simem:s6], [sflag:s4] =	dma.local [hbm:s3], $0xF7A  }
0x26: {  	[smem:$0x3F9D] =	sst s1;
	(tag) =	ssettag s2;
	_ =	strace s9  }
0x27: {  	s1 =	sld [smem:$0x3FAD]  }
0x28: {  	s2 =	sld [smem:$0x3FAE]  }
0x29: {  	s4 =	sld [smem:$0x3FB0]  }
0x2a: {  	p0 =	seq.s32 s5, $0x0;
	s5 =	sld [smem:$0x3FB1]  }
0x2b: {  	s6 =	sld [smem:$0x3FB2]  }
0x2c: {  	s7 =	sld [smem:$0x3FB3]  }
0x2d: {  	s3 =	simm.s32 $0x108;
	s8 =	sld [smem:$0x3FB4]  }
0x2e: {  	s3 =	simm.s32 @!p0 $0x1082;
	s9 =	sld [smem:$0x3FB5]  }
0x2f: {  	lr =	sadd.s32 s0, s3;
	s0 =	sld [smem:$0x3FAC]  }
0x30: {  	s3 =	sld [smem:$0x3FAF]  }
0x31: {  	[smem:$0x3FB8] =	sst s10  }
0x32: {  	s10 =	sld [smem:$0x3FB6];
	_ =	sdelay $0x3  }
0x33: {  	p0 =	seq.s32 s10, $0x1;
	s10 =	sld [smem:$0x3FB8];
	_ =	sdelay $0x3  }
0x34: {  	[smem:$0x3FB8] =	sst s10  }
0x35: {  	s10 =	sld [smem:$0x3FB7];
	_ =	sdelay $0x3  }
0x36: {  	p1 =	seq.s32 s10, $0x1;
	s10 =	sld [smem:$0x3FB8];
	_ =	sdelay $0x3  }
0x37: {  	[smem:$0x3FB8] =	sst s10  }
0x38: {  	s10 =	sld [smem:$0x3FB9]  }
0x39: {  	_ = 	snop;
	(pc) =	sbr.ind lr, $3  }
0x3a: {  	_ = 	snop  }
0x3b: {  	_ = 	snop  }
0x3c: {  	p2 =	seq.s32 s10, $0x1;
	s10 =	sld [smem:$0x3FB8]  }
0x3d: {  	_ =	shalt  }
0x3e: {  	_ =	shalt  }
0x3f: {  	_ =	shalt  }
0x40: {  	_ =	shalt  }
0x41: {  	_ =	shalt  }
0x42: {  	_ =	shalt  }
0x43: {  	_ =	shalt  }
0x44: {  	_ =	shalt  }
0x45: {  	_ =	shalt  }
0x46: {  	_ =	shalt  }
0x47: {  	_ =	shalt  }
0x48: {  	_ =	shalt  }
0x49: {  	_ =	shalt  }
0x4a: {  	_ =	shalt  }
0x4b: {  	_ =	shalt  }
0x4c: {  	_ =	shalt  }
0x4d: {  	_ =	shalt  }
0x4e: {  	_ =	shalt  }
0x4f: {  	_ =	shalt  }
0x50: {  	_ =	shalt  }
0x51: {  	_ =	shalt  }
0x52: {  	_ =	shalt  }
0x53: {  	_ =	shalt  }
0x54: {  	_ =	shalt  }
0x55: {  	_ =	shalt  }
0x56: {  	_ =	shalt  }
0x57: {  	_ =	shalt  }
0x58: {  	_ =	shalt  }
0x59: {  	_ =	shalt  }
0x5a: {  	_ =	shalt  }
0x5b: {  	_ =	shalt  }
0x5c: {  	_ =	shalt  }
0x5d: {  	_ =	shalt  }
0x5e: {  	_ =	shalt  }
0x5f: {  	_ =	shalt  }
0x60: {  	_ =	shalt  }
0x61: {  	_ =	shalt  }
0x62: {  	_ =	shalt  }
0x63: {  	_ =	shalt  }
0x64: {  	_ =	shalt  }
0x65: {  	_ =	shalt  }
0x66: {  	_ =	shalt  }
0x67: {  	_ =	shalt  }
0x68: {  	_ =	shalt  }
0x69: {  	_ =	shalt  }
0x6a: {  	_ =	shalt  }
0x6b: {  	_ =	shalt  }
0x6c: {  	_ =	shalt  }
0x6d: {  	_ =	shalt  }
0x6e: {  	_ =	shalt  }
0x6f: {  	_ =	shalt  }
0x70: {  	_ =	shalt  }
0x71: {  	_ =	shalt  }
0x72: {  	_ =	shalt  }
0x73: {  	_ =	shalt  }
0x74: {  	_ =	shalt  }
0x75: {  	_ =	shalt  }
0x76: {  	_ =	shalt  }
0x77: {  	_ =	shalt  }
0x78: {  	_ =	shalt  }
0x79: {  	_ =	shalt  }
0x7a: {  	_ =	shalt  }
0x7b: {  	_ =	shalt  }
0x7c: {  	_ =	shalt  }
0x7d: {  	_ =	shalt  }
0x7e: {  	_ =	shalt  }
0x7f: {  	_ =	shalt  }
0x80: {  	_ =	shalt  }
0x81: {  	_ =	shalt  }
0x82: {  	_ =	shalt  }
0x83: {  	_ =	shalt  }
0x84: {  	_ =	shalt  }
0x85: {  	_ =	shalt  }
0x86: {  	_ =	shalt  }
0x87: {  	_ =	shalt  }
.Lfunc_end0:
.L_simem_size_0:
called_computation_lowered:
.L_overlay_start_0:
0x88: {  	s2 =	sld [smem:$0x3FD9]  }
0x89: {  	s3 =	sld [smem:$0x3FFE];
	_ =	sdelay $0x1  }
0x8a: {  	s1 =	srdreg.scid  }
0x8b: {  	s0 =	sand.u32 $0x1, s1  }
0x8c: {  	s17 =	sshll.u32 s0, $0xA;
	s2 =	sadd.s32 s3, s2  }
0x8d: {  	s2 =	sadd.s32 s2, s17  }
0x8e: {  	[smem:$0x3FC4] =	sst s2  }
0x8f: {  	_ = 	snop  }
0x90: {  	s2 =	sld [smem:$0x3FD0];
	(tm) =	ssettm $0x1  }
0x91: {  	s18 =	sld [smem:$0x3FFB];
	_ =	sdelay $0x3  }
0x92: {  	_ =	strace s18  }
0x93: {  	s3 =	sld [smem:$0x3FFC];
	_ =	sdelay $0x3  }
0x94: {  	_ =	strace s3  }
0x95: {  	s3 =	sld [smem:$0x3FFD];
	_ =	sdelay $0x3  }
0x96: {  	_ =	strace s3  }
0x97: {  	_ =	strace $0x8FFFFFFF  }
0x98: {  	s19 =	sld [smem:$0x3FDB];
	_ =	sdelay $0x1  }
0x99: {  	s4 =	simm.s32 $_scs_section_size  }
0x9a: {  	s5 =	simm.s32 $_size__tile_overlayer_lowered;
	s6 =	simm.s32 $_tile_overlayer_lowered  }
0x9b: {  	s22 =	simm.s32 $0x1BFF;
	s21 =	sshll.u32 s6, $0x1;
	s3 =	sadd.s32 s4, s19  }
0x9c: {  	s7 =	simm.s32 $0x0;
	s20 =	sshll.u32 s5, $0x1;
	s5 =	sadd.s32 s21, s3  }
0x9d: {  	[timem:s7], [sflag:s22] =	dma.local [hbm:s5], s20  }
0x9e: {  	_ =	swait.ge [sflag:s22], s20  }
0x9f: {  	s4 =	ssub.s32 $0x0, s20;
	[sflag:s22] =	ssyncset.done $0x0  }
0xa0: {  	[sflag:s22] =	ssyncadd.s32 s4;
	_ =	sdelay $0x1  }
0xa1: {  	s23 =	simm.s32 $0x1B8B  }
0xa2: {  	_ =	swait.ge [sflag:s23], $0x1  }
0xa3: {  	[sflag:s23] =	ssyncset.done $0x0  }
0xa4: {  	s25 =	simm.s32 $0x1B8E;
	s24 =	sld [smem:$0x3FFE];
	[sflag:s23] =	ssyncadd.s32 $0xFFFFFFFF  }
0xa5: {  	s26 =	simm.s32 $execute0_lowered;
	[smem:$0x3FD2] =	sst s25  }
0xa6: {  	s5 =	sshll.u32 s26, $0x1;
	_ =	strace $0x80000046;
	[dreg:$0x1] =	wrdreg $0xFFFFFFFF  }
0xa7: {  	s28 =	simm.s32 $_size_execute0_lowered;
	s3 =	sadd.s32 s3, s5;
	[dreg:$0x0] =	wrdreg $0x0  }
0xa8: {  	s5 =	sshll.u32 s28, $0x1;
	[dreg:$0x2] =	wrdreg s3  }
0xa9: {  	[dreg:$0x3] =	wrdreg s5  }
0xaa: {  	[dreg:$0x4] =	wrdreg $0xC0  }
0xab: {  	_ =	task [dreg:s7], $0x5FFFF  }
0xac: {  	[dreg:$0x1] =	wrdreg $0xFFFFFFFF  }
0xad: {  	[dreg:$0x0] =	wrdreg $0x60  }
0xae: {  	[dreg:$0x2] =	wrdreg s24  }
0xaf: {  	[dreg:$0x3] =	wrdreg s2  }
0xb0: {  	[dreg:$0x4] =	wrdreg $0x9  }
0xb1: {  	_ =	task.clear_ibuf [dreg:s7], $0x5FFFF;
	_ =	strace $0x90000046  }
0xb2: {  	s29 =	simm.s32 $0x9;
	_ =	strace $0x80000048  }
0xb3: {  	_ =	swait.ge [sflag:s29], $0x1  }
0xb4: {  	[sflag:s29] =	ssyncadd.s32 $0xFFFFFFFF  }
0xb5: {  	_ =	strace $0x90000048  }
0xb6: {  	_ =	sfence  }
0xb7: {  	s30 =	sld [smem:$0x0];
	_ =	sdelay $0x2  }
0xb8: {  	s31 =	sshll.u32 s1, $0xD;
	s1 =	sshrl.u32 s1, $0x2  }
0xb9: {  	s3 =	sand.u32 $0x4000, s31;
	s1 =	sadd.s32 s1, s30  }
0xba: {  	s0 =	sor.u32 s3, s0;
	s1 =	sshll.u32 s1, $0x11  }
0xbb: {  	s0 =	sor.u32 s1, s0  }
0xbc: {  	s0 =	sadd.s32 $0x8F2B, s0  }
0xbd: {  	[sflag:s0] =	ssyncadd.remote.s32 $0x1  }
0xbe: {  	_ =	sfence.sel $0xFFFF  }
0xbf: {  	[dreg:$0x0] =	wrdreg $0xFFFFFFFF;
	(pc) =	sbr.abs _section_cstart, $3  }
0xc0: {  	[dreg:$0x1] =	wrdreg $0xFFFFFFFF  }
0xc1: {  	_ =	task.clear_ibuf [dreg:s7], $0x2FFFF;
	_ =	strace $0x9FFFFFFF  }
0xc2: {  	(tm) =	ssettm $0x7FFFFFFF  }
0xc3: {  	_ =	shalt  }
tec
execute0_lowered:
.L_overlay_start_1:
0x0: {  	(tag) =	ssettag $0x1  }
0x1: {  	s5 =	rddreg [dreg:$0x0]  }
0x2: {  	s7 =	rddreg [dreg:$0x1]  }
0x3: {  	s0 =	rddreg [dreg:$0x2];
	s2 =	simm.s32 $0x0  }
0x4: {  	s3 =	srdreg.scid;
	s1 =	stileid.u32;
	s12 =	simm.s32 $0x0  }
0x5: {  	[smem:$0x7FF] =	sst s2;
	s6 =	sand.u32 $0x1, s3;
	s8 =	sshll.u32 s1, $0x1  }
0x6: {  	s3 =	sadd.s32 $0x5600, s5;
	s4 =	sadd.s32 $0x1600, s5;
	s5 =	sadd.s32 $0x9600, s5  }
0x7: {  	_ =	strace $0x80000047;
	s8 =	sor.u32 s6, s8;
	s6 =	ssub.s32 $0x2, s6  }
0x8: {  	s10 =	sshll.u32 s8, $0x6;
	s9 =	sshrl.u32 s6, $0x1;
	s8 =	sshll.u32 s8, $0xE  }
0x9: {  	s11 =	sor.u32 $0x20, s10;
	s9 =	ssub.s32 s6, s9;
	s6 =	sadd.s32 s7, s8  }
0xa: {  	v0 =	vmov s10;
	s10 =	simm.s32 $0x10000;
	s31 =	sshll.u32 s11, $0x8;
	s8 =	smax.u32 s9, $0x1  }
0xb: {  	v2 =	vimm.f32 $1.000000000e+00;
	s9 =	simm.s32 $0x1;
	v1 =	vmov s11;
	s11 =	simm.s32 $0x14000;
	s7 =	sadd.s32 s7, s31  }
.LBB2_1:
0xc: {  	[tilespmem:s2], [sflag:$0x1] =	stream.linear.gather [hbm4b:s5+s2], $0x10000, $0x38;
	[tilespmem:$0x18000] =	vst v63  }
0xd: {  	_ =	swait.ge [sflag:s9], $0x10000  }
0xe: {  	[sflag:s9] =	ssyncset.done $0x0  }
0xf: {  	s13 =	simm.s32 $0x0;
	[sflag:s9] =	ssyncadd.s32 $0xFFFF0000  }
.LBB2_2:
0x10: {  	s14 =	sshll.u32 s13, $0xB  }
0x11: {  	s16 =	simm.s32 $0x0;
	s15 =	sadd.s32 s3, s14  }
0x12: {  	[tilespmem:s10], [sflag:$0x1] =	stream.linear.gather [hbm4b:s15+s16], $0x4000, $0x38;
	[tilespmem:$0x18000] =	vst v63  }
0x13: {  	_ =	swait.ge [sflag:s9], $0x4000  }
0x14: {  	[sflag:s9] =	ssyncset.done $0x0  }
0x15: {  	s14 =	sadd.s32 s4, s14;
	[sflag:s9] =	ssyncadd.s32 $0xFFFFC000  }
0x16: {  	[tilespmem:s11], [sflag:$0x1] =	stream.linear.gather [hbm4b:s14+s16], $0x4000, $0x38;
	[tilespmem:$0x18000] =	vst v63  }
0x17: {  	_ =	swait.ge [sflag:s9], $0x4000  }
0x18: {  	[sflag:s9] =	ssyncset.done $0x0  }
0x19: {  	s15 =	simm.s32 $0x0;
	s14 =	simm.s32 $0x40;
	[sflag:s9] =	ssyncadd.s32 $0xFFFFC000  }
.LBB2_3:
0x1a: {  	p0 =	sne.s32 s14, $0xFFC0;
	v3 =	vld [tilespmem:s15+$0x10000];
	_ =	sdelay $0x2  }
0x1b: {  	v4 =	vld [tilespmem:s15+$0x14000];
	_ =	sdelay $0x1  }
0x1c: {  	v3 =	vsub.s32 v3, v0  }
0x1d: {  	vm0 =	vlt.u32 v3, $0x20;
	v3 =	vshll.u32 v3, $0xB  }
0x1e: {  	v3 =	vnsel vm0, $0x0, v3  }
0x1f: {  	v3 =	vadd.s32 v4, v3  }
.Ltmp0:
0x20: {  	(pc) =	sbr.rel @p0 .LBB2_3-.Ltmp0, $2  }
0x21: {  	_ =	sdelay $0x2  }
0x22: {  	s15 =	sshra.s32 s14, $0x2;
	s14 =	sadd.s32 $0x40, s14;
	[tilespmem:v3+s2+$0x0] =	vst.idx.add.f32.msk vm0, v2  }
0x23: {  	v3 =	vld [tilespmem:s15+$0x10000];
	_ =	sdelay $0x2  }
0x24: {  	v4 =	vld [tilespmem:s15+$0x14000];
	_ =	sdelay $0x1  }
0x25: {  	v3 =	vsub.s32 v3, v0  }
0x26: {  	vm0 =	vlt.u32 v3, $0x20;
	v3 =	vshll.u32 v3, $0xB  }
0x27: {  	s13 =	sadd.s32 $0x1, s13;
	v3 =	vnsel vm0, $0x0, v3  }
0x28: {  	p0 =	sne.s32 s13, $0x8;
	v3 =	vadd.s32 v4, v3  }
.Ltmp1:
0x29: {  	_ = 	snop;
	(pc) =	sbr.rel @p0 .LBB2_2-.Ltmp1, $2  }
0x2a: {  	_ =	sdelay $0x2  }
0x2b: {  	[tilespmem:v3+s2+$0x0] =	vst.idx.add.f32.msk vm0, v2  }
0x2c: {  	s13 =	simm.s32 $0x0  }
0x2d: {  	[hbm4b:s6+s13] =	stream.linear.scatter [tilespmem:s13], [sflag:$0x1], $0x10000, $0x38;
	[tilespmem:$0x18000] =	vst v63  }
0x2e: {  	_ =	swait.ge [sflag:s9], $0x10000  }
0x2f: {  	[sflag:s9] =	ssyncset.done $0x0  }
0x30: {  	[sflag:s9] =	ssyncadd.s32 $0xFFFF0000  }
0x31: {  	[tilespmem:s13], [sflag:$0x1] =	stream.linear.gather [hbm4b:s5+s13], $0x10000, $0x38;
	[tilespmem:$0x18000] =	vst v63  }
0x32: {  	_ =	swait.ge [sflag:s9], $0x10000  }
0x33: {  	[sflag:s9] =	ssyncset.done $0x0  }
0x34: {  	s14 =	simm.s32 $0x0;
	[sflag:s9] =	ssyncadd.s32 $0xFFFF0000  }
.LBB2_6:
0x35: {  	s15 =	sshll.u32 s14, $0xB  }
0x36: {  	s16 =	sadd.s32 s3, s15  }
0x37: {  	[tilespmem:s10], [sflag:$0x1] =	stream.linear.gather [hbm4b:s16+s13], $0x4000, $0x38;
	[tilespmem:$0x18000] =	vst v63  }
0x38: {  	_ =	swait.ge [sflag:s9], $0x4000  }
0x39: {  	[sflag:s9] =	ssyncset.done $0x0  }
0x3a: {  	s15 =	sadd.s32 s4, s15;
	[sflag:s9] =	ssyncadd.s32 $0xFFFFC000  }
0x3b: {  	[tilespmem:s11], [sflag:$0x1] =	stream.linear.gather [hbm4b:s15+s13], $0x4000, $0x38;
	[tilespmem:$0x18000] =	vst v63  }
0x3c: {  	_ =	swait.ge [sflag:s9], $0x4000  }
0x3d: {  	[sflag:s9] =	ssyncset.done $0x0  }
0x3e: {  	s16 =	simm.s32 $0x0;
	s15 =	simm.s32 $0x40;
	[sflag:s9] =	ssyncadd.s32 $0xFFFFC000  }
.LBB2_7:
0x3f: {  	p0 =	sne.s32 s15, $0xFFC0;
	v3 =	vld [tilespmem:s16+$0x10000];
	_ =	sdelay $0x2  }
0x40: {  	v4 =	vld [tilespmem:s16+$0x14000];
	_ =	sdelay $0x1  }
0x41: {  	v3 =	vsub.s32 v3, v1  }
0x42: {  	vm0 =	vlt.u32 v3, $0x20;
	v3 =	vshll.u32 v3, $0xB  }
0x43: {  	v3 =	vnsel vm0, $0x0, v3  }
0x44: {  	v3 =	vadd.s32 v4, v3  }
.Ltmp2:
0x45: {  	(pc) =	sbr.rel @p0 .LBB2_7-.Ltmp2, $2  }
0x46: {  	_ =	sdelay $0x2  }
0x47: {  	s16 =	sshra.s32 s15, $0x2;
	s15 =	sadd.s32 $0x40, s15;
	[tilespmem:v3+s2+$0x0] =	vst.idx.add.f32.msk vm0, v2  }
0x48: {  	v3 =	vld [tilespmem:s16+$0x10000];
	_ =	sdelay $0x2  }
0x49: {  	v4 =	vld [tilespmem:s16+$0x14000];
	_ =	sdelay $0x1  }
0x4a: {  	v3 =	vsub.s32 v3, v1  }
0x4b: {  	vm0 =	vlt.u32 v3, $0x20;
	v3 =	vshll.u32 v3, $0xB  }
0x4c: {  	s14 =	sadd.s32 $0x1, s14;
	v3 =	vnsel vm0, $0x0, v3  }
0x4d: {  	p0 =	sne.s32 s14, $0x8;
	v3 =	vadd.s32 v4, v3  }
.Ltmp3:
0x4e: {  	_ = 	snop;
	(pc) =	sbr.rel @p0 .LBB2_6-.Ltmp3, $2  }
0x4f: {  	_ =	sdelay $0x2  }
0x50: {  	[tilespmem:v3+s2+$0x0] =	vst.idx.add.f32.msk vm0, v2  }
0x51: {  	s12 =	sadd.s32 $0x1, s12  }
0x52: {  	p0 =	sne.s32 s12, s8  }
.Ltmp4:
0x53: {  	_ = 	snop;
	(pc) =	sbr.rel @p0 .LBB2_1-.Ltmp4, $4  }
0x54: {  	[hbm4b:s7+s2] =	stream.linear.scatter [tilespmem:s2], [sflag:$0x1], $0x10000, $0x38;
	[tilespmem:$0x18000] =	vst v63  }
0x55: {  	_ =	swait.ge [sflag:s9], $0x10000  }
0x56: {  	[sflag:s9] =	ssyncset.done $0x0  }
0x57: {  	[sflag:s9] =	ssyncadd.s32 $0xFFFF0000  }
0x58: {  	_ =	sfence.sel $0x180000  }
0x59: {  	[bflag:$0x0] =	sbarrier.arrive $0xFFFF  }
0x5a: {  	p0 =	sne.s32 s1, $0x0;
	_ =	strace $0x90000047  }
0x5b: {  	s0 =	sadd.s32 @!p0 $0x100000, s0;
	[bflag:$0x2] =	sbarrier.arrive $0xFFFF  }
0x5c: {  	[sflag:s0] =	ssyncadd.tile.s32 @!p0 $0x1;
	_ =	shalt  }
.Lfunc_end2:
_tile_overlayer_lowered:
.L_overlay_start_2:
0x5d: {  	(tag) =	ssettag $0x2  }
0x5e: {  	s0 =	rddreg [dreg:$0x0];
	s2 =	stileid.u32  }
0x5f: {  	s1 =	rddreg [dreg:$0x1];
	p0 =	sne.s32 s2, $0x0  }
0x60: {  	s3 =	rddreg [dreg:$0x2];
	[bflag:$0x3] =	sbarrier.arrive $0xFFFF;
	s2 =	simm.s32 @!p0 $0x1C01  }
0x61: {  	[timem:s3], [sflag:s2] =	dma.local @!p0 [hbm:s0], s1  }
0x62: {  	s0 =	simm.s32 @!p0 $0x1  }
0x63: {  	_ =	swait.ge @!p0 [sflag:s0], s1  }
0x64: {  	s1 =	ssub.s32 @!p0 $0x0, s1;
	[sflag:s0] =	ssyncset.done @!p0 $0x0  }
0x65: {  	[sflag:s0] =	ssyncadd.s32 @!p0 s1  }
0x66: {  	[bflag:$0x3] =	sbarrier.arrive $0xFFFF  }
0x67: {  	_ =	shalt  }

</sc_bundles>
